<compile_context>
chip_gen: v7x
topology: tpu7x:2x2x1
jax: 0.10.2.dev20260603
libtpu: 0.0.44.dev20260713+nightly
codegen_flags: <defaults>
</compile_context>

<pallas_src>
import functools

import jax
import jax.numpy as jnp
from jax import lax
from jax.experimental import pallas as pl
from jax.experimental.pallas import tpu as pltpu
from jax.experimental.pallas import tpu_sc as plsc

VOCAB = 1000
EMBED = 128
BATCH = 1024
SEQ = 20
SEQ_PAD = 24
NTOK_PAD = BATCH * SEQ_PAD


@functools.lru_cache(maxsize=1)
def _make_gather_kernel():
    info = plsc.get_sparse_core_info()
    nw = info.num_cores * info.num_subcores
    per_w = NTOK_PAD // nw
    chunk = 128
    n_chunks = per_w // chunk
    mesh = plsc.VectorSubcoreMesh(core_axis_name="c", subcore_axis_name="s")

    @functools.partial(
        pl.kernel,
        out_type=jax.ShapeDtypeStruct((NTOK_PAD, EMBED), jnp.float32),
        mesh=mesh,
        scratch_types=[
            pltpu.VMEM((per_w,), jnp.int32),
            pltpu.VMEM((per_w, EMBED), jnp.float32),
            pltpu.SemaphoreType.DMA,
        ],
    )
    def gather_k(table_hbm, idx_hbm, out_hbm, idx_v, rows_v, sem):
        wid = lax.axis_index("s") * info.num_cores + lax.axis_index("c")
        base = wid * per_w
        pltpu.sync_copy(idx_hbm.at[pl.ds(base, per_w)], idx_v)
        handles = [
            pltpu.async_copy(
                table_hbm.at[idx_v.at[pl.ds(c * chunk, chunk)]],
                rows_v.at[pl.ds(c * chunk, chunk)],
                sem,
            )
            for c in range(n_chunks)
        ]
        for h in handles:
            h.wait()
        pltpu.sync_copy(rows_v, out_hbm.at[pl.ds(base, per_w)])

    return gather_k


B_BLK = 128


def _proj_body(x_ref, w_ref, b_ref, o_ref):
    res = (
        jnp.dot(
            x_ref[...].astype(jnp.bfloat16),
            w_ref[...].astype(jnp.bfloat16),
            preferred_element_type=jnp.float32,
        )
        + b_ref[...]
    )
    o_ref[...] = res.reshape(B_BLK, SEQ_PAD, VOCAB)[:, :SEQ, :]


def kernel(input_ids, embed_table, dense_kernel, dense_bias):
    ids32 = input_ids.astype(jnp.int32)
    ids_pad = jnp.concatenate([ids32, ids32[:, : SEQ_PAD - SEQ]], axis=1)
    emb = _make_gather_kernel()(embed_table, ids_pad.reshape(NTOK_PAD))
    out = pl.pallas_call(
        _proj_body,
        grid=(BATCH // B_BLK,),
        in_specs=[
            pl.BlockSpec((B_BLK * SEQ_PAD, EMBED), lambda i: (i, 0)),
            pl.BlockSpec((EMBED, VOCAB), lambda i: (0, 0)),
            pl.BlockSpec((1, VOCAB), lambda i: (0, 0)),
        ],
        out_specs=pl.BlockSpec((B_BLK, SEQ, VOCAB), lambda i: (i, 0, 0)),
        out_shape=jax.ShapeDtypeStruct((BATCH, SEQ, VOCAB), jnp.float32),
    )(emb, dense_kernel, dense_bias.reshape(1, VOCAB))
    return out

# --- scband reference (transcript-rebuilt; emitter-appended) ---
"""Pipeline reference for scband-mock-transformer-model-57226144252265 (READ-ONLY COPY).

The authoritative reference and input builder live on the scoring server;
editing this copy changes nothing except your own understanding.
"""

import jax, jax.numpy as jnp
import numpy as np

VOCAB = 1000
EMBED = 128
BATCH = 1024
SEQ = 20

def setup_inputs(seed: int = 0) -> dict:
    key = jax.random.key(seed)
    k_ids, k_emb, k_w, k_b = jax.random.split(key, 4)
    input_ids = jax.random.randint(k_ids, (BATCH, SEQ), 0, VOCAB, dtype=jnp.int64 if jax.config.jax_enable_x64 else jnp.int32)
    # nn.Embed default init: normal(stddev=1/sqrt(features)) approx; use scaled normal
    embed_table = jax.random.normal(k_emb, (VOCAB, EMBED), dtype=jnp.float32) * (1.0 / np.sqrt(EMBED))
    # nn.Dense: kernel [in_features, out_features] lecun_normal, bias zeros
    dense_kernel = jax.random.normal(k_w, (EMBED, VOCAB), dtype=jnp.float32) * (1.0 / np.sqrt(EMBED))
    dense_bias = jnp.zeros((VOCAB,), dtype=jnp.float32)
    return {"input_ids": input_ids, "embed_table": embed_table, "dense_kernel": dense_kernel, "dense_bias": dense_bias}

def reference(input_ids, embed_table, dense_kernel, dense_bias):
    # nn.Embed: gather rows of the embedding table
    x = jnp.take(embed_table, input_ids, axis=0)  # [B, S, EMBED]
    # nn.Dense(features=vocab_size)
    logits = jnp.einsum('bse,ev->bsv', x, dense_kernel) + dense_bias  # [B, S, VOCAB]
    return logits

if __name__ == "__main__":
    import jax
    _d = setup_inputs()
    print(jax.jit(kernel)(*tuple(_d.values())))

</pallas_src>

<mosaic_0001>
#map = affine_map<(d0, d1) -> (0, 0)>
#map1 = affine_map<(d0, d1) -> (0)>
module attributes {stable_mosaic.version = 14 : i64} {
  func.func @gather_k(%arg0: i32, %arg1: i32, %arg2: memref<1000x128xf32, #tpu.memory_space<hbm>>, %arg3: memref<24576xi32, #tpu.memory_space<hbm>>, %arg4: memref<24576x128xf32, #tpu.memory_space<hbm>>, %arg5: memref<768xi32, #tpu.memory_space<vmem>>, %arg6: memref<768x128xf32, #tpu.memory_space<vmem>>, %arg7: memref<!tpu.dma_semaphore, #tpu.memory_space<semaphore_mem>>) attributes {dimension_semantics = [#tpu.dimension_semantics<core_parallel>, #tpu.dimension_semantics<subcore_parallel>], iteration_bounds = array<i64: 2, 16>, scalar_prefetch = 0 : i64, scratch_operands = 3 : i64, tpu.core_type = #tpu.core_type<sc_vector_subcore>, window_params = [{transform_indices = #map}, {transform_indices = #map1}, {transform_indices = #map}]} {
    %mul3A = arith.constant 2 : i32
    %mul3A_0 = arith.muli %arg1, %mul3A : i32
    %add3A = arith.addi %mul3A_0, %arg0 : i32
    %mul3A_1 = arith.constant 768 : i32
    %mul3A_2 = arith.muli %add3A, %mul3A_1 : i32
    "tpu.region"() ({
      %run_scoped3A = tpu.sem_alloc : memref<!tpu.dma_semaphore, #tpu.memory_space<semaphore_mem>>
      %dma_start3A_97 = tpu.memref_slice %arg3[%mul3A_2] : memref<24576xi32, #tpu.memory_space<hbm>> -> memref<768xi32, #tpu.memory_space<hbm>>
      %dma_start3A_98 = tpu.memref_slice %arg3[%mul3A_2] : memref<24576xi32, #tpu.memory_space<hbm>> -> memref<768xi32, #tpu.memory_space<hbm>>
      tpu.enqueue_dma source(%dma_start3A_98 : memref<768xi32, #tpu.memory_space<hbm>>) target(%arg5 : memref<768xi32, #tpu.memory_space<vmem>>) target_semaphore(%run_scoped3A : memref<!tpu.dma_semaphore, #tpu.memory_space<semaphore_mem>>)
      %dma_wait3A_99 = tpu.memref_slice %arg3[%mul3A_2] : memref<24576xi32, #tpu.memory_space<hbm>> -> memref<768xi32, #tpu.memory_space<hbm>>
      %dma_wait3A_100 = tpu.memref_slice %arg3[%mul3A_2] : memref<24576xi32, #tpu.memory_space<hbm>> -> memref<768xi32, #tpu.memory_space<hbm>>
      tpu.wait_dma2 semaphore(%run_scoped3A : memref<!tpu.dma_semaphore, #tpu.memory_space<semaphore_mem>>) src(%dma_wait3A_100 : memref<768xi32, #tpu.memory_space<hbm>>) dst(%arg5 : memref<768xi32, #tpu.memory_space<vmem>>)
      tpu.yield
    }) : () -> ()
    %dma_start3A = arith.constant 0 : i32
    %dma_start3A_3 = arith.constant 0 : i32
    %dma_start3A_4 = tpu.memref_slice %arg6[%dma_start3A, %dma_start3A_3] : memref<768x128xf32, #tpu.memory_space<vmem>> -> memref<128x128xf32, #tpu.memory_space<vmem>>
    %dma_start3A_5 = arith.constant 0 : i32
    %dma_start3A_6 = tpu.memref_slice %arg5[%dma_start3A_5] : memref<768xi32, #tpu.memory_space<vmem>> -> memref<128xi32, #tpu.memory_space<vmem>>
    %dma_start3A_7 = arith.constant 0 : i32
    %dma_start3A_8 = arith.constant 0 : i32
    %dma_start3A_9 = tpu.memref_slice %arg2[%dma_start3A_7, %dma_start3A_8] : memref<1000x128xf32, #tpu.memory_space<hbm>> -> memref<1000x128xf32, #tpu.memory_space<hbm>>
    tpu.enqueue_indirect_dma source(%dma_start3A_9 : memref<1000x128xf32, #tpu.memory_space<hbm>>) target(%dma_start3A_4 : memref<128x128xf32, #tpu.memory_space<vmem>>) offsets(%dma_start3A_6 : memref<128xi32, #tpu.memory_space<vmem>>) semaphore(%arg7 : memref<!tpu.dma_semaphore, #tpu.memory_space<semaphore_mem>>)
    %dma_start3A_10 = arith.constant 128 : i32
    %dma_start3A_11 = arith.constant 0 : i32
    %dma_start3A_12 = tpu.memref_slice %arg6[%dma_start3A_10, %dma_start3A_11] : memref<768x128xf32, #tpu.memory_space<vmem>> -> memref<128x128xf32, #tpu.memory_space<vmem>>
    %dma_start3A_13 = arith.constant 128 : i32
    %dma_start3A_14 = tpu.memref_slice %arg5[%dma_start3A_13] : memref<768xi32, #tpu.memory_space<vmem>> -> memref<128xi32, #tpu.memory_space<vmem>>
    %dma_start3A_15 = arith.constant 0 : i32
    %dma_start3A_16 = arith.constant 0 : i32
    %dma_start3A_17 = tpu.memref_slice %arg2[%dma_start3A_15, %dma_start3A_16] : memref<1000x128xf32, #tpu.memory_space<hbm>> -> memref<1000x128xf32, #tpu.memory_space<hbm>>
    tpu.enqueue_indirect_dma source(%dma_start3A_17 : memref<1000x128xf32, #tpu.memory_space<hbm>>) target(%dma_start3A_12 : memref<128x128xf32, #tpu.memory_space<vmem>>) offsets(%dma_start3A_14 : memref<128xi32, #tpu.memory_space<vmem>>) semaphore(%arg7 : memref<!tpu.dma_semaphore, #tpu.memory_space<semaphore_mem>>)
    %dma_start3A_18 = arith.constant 256 : i32
    %dma_start3A_19 = arith.constant 0 : i32
    %dma_start3A_20 = tpu.memref_slice %arg6[%dma_start3A_18, %dma_start3A_19] : memref<768x128xf32, #tpu.memory_space<vmem>> -> memref<128x128xf32, #tpu.memory_space<vmem>>
    %dma_start3A_21 = arith.constant 256 : i32
    %dma_start3A_22 = tpu.memref_slice %arg5[%dma_start3A_21] : memref<768xi32, #tpu.memory_space<vmem>> -> memref<128xi32, #tpu.memory_space<vmem>>
    %dma_start3A_23 = arith.constant 0 : i32
    %dma_start3A_24 = arith.constant 0 : i32
    %dma_start3A_25 = tpu.memref_slice %arg2[%dma_start3A_23, %dma_start3A_24] : memref<1000x128xf32, #tpu.memory_space<hbm>> -> memref<1000x128xf32, #tpu.memory_space<hbm>>
    tpu.enqueue_indirect_dma source(%dma_start3A_25 : memref<1000x128xf32, #tpu.memory_space<hbm>>) target(%dma_start3A_20 : memref<128x128xf32, #tpu.memory_space<vmem>>) offsets(%dma_start3A_22 : memref<128xi32, #tpu.memory_space<vmem>>) semaphore(%arg7 : memref<!tpu.dma_semaphore, #tpu.memory_space<semaphore_mem>>)
    %dma_start3A_26 = arith.constant 384 : i32
    %dma_start3A_27 = arith.constant 0 : i32
    %dma_start3A_28 = tpu.memref_slice %arg6[%dma_start3A_26, %dma_start3A_27] : memref<768x128xf32, #tpu.memory_space<vmem>> -> memref<128x128xf32, #tpu.memory_space<vmem>>
    %dma_start3A_29 = arith.constant 384 : i32
    %dma_start3A_30 = tpu.memref_slice %arg5[%dma_start3A_29] : memref<768xi32, #tpu.memory_space<vmem>> -> memref<128xi32, #tpu.memory_space<vmem>>
    %dma_start3A_31 = arith.constant 0 : i32
    %dma_start3A_32 = arith.constant 0 : i32
    %dma_start3A_33 = tpu.memref_slice %arg2[%dma_start3A_31, %dma_start3A_32] : memref<1000x128xf32, #tpu.memory_space<hbm>> -> memref<1000x128xf32, #tpu.memory_space<hbm>>
    tpu.enqueue_indirect_dma source(%dma_start3A_33 : memref<1000x128xf32, #tpu.memory_space<hbm>>) target(%dma_start3A_28 : memref<128x128xf32, #tpu.memory_space<vmem>>) offsets(%dma_start3A_30 : memref<128xi32, #tpu.memory_space<vmem>>) semaphore(%arg7 : memref<!tpu.dma_semaphore, #tpu.memory_space<semaphore_mem>>)
    %dma_start3A_34 = arith.constant 512 : i32
    %dma_start3A_35 = arith.constant 0 : i32
    %dma_start3A_36 = tpu.memref_slice %arg6[%dma_start3A_34, %dma_start3A_35] : memref<768x128xf32, #tpu.memory_space<vmem>> -> memref<128x128xf32, #tpu.memory_space<vmem>>
    %dma_start3A_37 = arith.constant 512 : i32
    %dma_start3A_38 = tpu.memref_slice %arg5[%dma_start3A_37] : memref<768xi32, #tpu.memory_space<vmem>> -> memref<128xi32, #tpu.memory_space<vmem>>
    %dma_start3A_39 = arith.constant 0 : i32
    %dma_start3A_40 = arith.constant 0 : i32
    %dma_start3A_41 = tpu.memref_slice %arg2[%dma_start3A_39, %dma_start3A_40] : memref<1000x128xf32, #tpu.memory_space<hbm>> -> memref<1000x128xf32, #tpu.memory_space<hbm>>
    tpu.enqueue_indirect_dma source(%dma_start3A_41 : memref<1000x128xf32, #tpu.memory_space<hbm>>) target(%dma_start3A_36 : memref<128x128xf32, #tpu.memory_space<vmem>>) offsets(%dma_start3A_38 : memref<128xi32, #tpu.memory_space<vmem>>) semaphore(%arg7 : memref<!tpu.dma_semaphore, #tpu.memory_space<semaphore_mem>>)
    %dma_start3A_42 = arith.constant 640 : i32
    %dma_start3A_43 = arith.constant 0 : i32
    %dma_start3A_44 = tpu.memref_slice %arg6[%dma_start3A_42, %dma_start3A_43] : memref<768x128xf32, #tpu.memory_space<vmem>> -> memref<128x128xf32, #tpu.memory_space<vmem>>
    %dma_start3A_45 = arith.constant 640 : i32
    %dma_start3A_46 = tpu.memref_slice %arg5[%dma_start3A_45] : memref<768xi32, #tpu.memory_space<vmem>> -> memref<128xi32, #tpu.memory_space<vmem>>
    %dma_start3A_47 = arith.constant 0 : i32
    %dma_start3A_48 = arith.constant 0 : i32
    %dma_start3A_49 = tpu.memref_slice %arg2[%dma_start3A_47, %dma_start3A_48] : memref<1000x128xf32, #tpu.memory_space<hbm>> -> memref<1000x128xf32, #tpu.memory_space<hbm>>
    tpu.enqueue_indirect_dma source(%dma_start3A_49 : memref<1000x128xf32, #tpu.memory_space<hbm>>) target(%dma_start3A_44 : memref<128x128xf32, #tpu.memory_space<vmem>>) offsets(%dma_start3A_46 : memref<128xi32, #tpu.memory_space<vmem>>) semaphore(%arg7 : memref<!tpu.dma_semaphore, #tpu.memory_space<semaphore_mem>>)
    %dma_wait3A = arith.constant 0 : i32
    %dma_wait3A_50 = arith.constant 0 : i32
    %dma_wait3A_51 = tpu.memref_slice %arg6[%dma_wait3A, %dma_wait3A_50] : memref<768x128xf32, #tpu.memory_space<vmem>> -> memref<128x128xf32, #tpu.memory_space<vmem>>
    %dma_wait3A_52 = arith.constant 0 : i32
    %dma_wait3A_53 = tpu.memref_slice %arg5[%dma_wait3A_52] : memref<768xi32, #tpu.memory_space<vmem>> -> memref<128xi32, #tpu.memory_space<vmem>>
    %dma_wait3A_54 = arith.constant 0 : i32
    %dma_wait3A_55 = arith.constant 0 : i32
    %dma_wait3A_56 = tpu.memref_slice %arg2[%dma_wait3A_54, %dma_wait3A_55] : memref<1000x128xf32, #tpu.memory_space<hbm>> -> memref<1000x128xf32, #tpu.memory_space<hbm>>
    tpu.wait_indirect_dma semaphore(%arg7 : memref<!tpu.dma_semaphore, #tpu.memory_space<semaphore_mem>>) src(%dma_wait3A_56 : memref<1000x128xf32, #tpu.memory_space<hbm>>) dst(%dma_wait3A_51 : memref<128x128xf32, #tpu.memory_space<vmem>>)
    %dma_wait3A_57 = arith.constant 128 : i32
    %dma_wait3A_58 = arith.constant 0 : i32
    %dma_wait3A_59 = tpu.memref_slice %arg6[%dma_wait3A_57, %dma_wait3A_58] : memref<768x128xf32, #tpu.memory_space<vmem>> -> memref<128x128xf32, #tpu.memory_space<vmem>>
    %dma_wait3A_60 = arith.constant 128 : i32
    %dma_wait3A_61 = tpu.memref_slice %arg5[%dma_wait3A_60] : memref<768xi32, #tpu.memory_space<vmem>> -> memref<128xi32, #tpu.memory_space<vmem>>
    %dma_wait3A_62 = arith.constant 0 : i32
    %dma_wait3A_63 = arith.constant 0 : i32
    %dma_wait3A_64 = tpu.memref_slice %arg2[%dma_wait3A_62, %dma_wait3A_63] : memref<1000x128xf32, #tpu.memory_space<hbm>> -> memref<1000x128xf32, #tpu.memory_space<hbm>>
    tpu.wait_indirect_dma semaphore(%arg7 : memref<!tpu.dma_semaphore, #tpu.memory_space<semaphore_mem>>) src(%dma_wait3A_64 : memref<1000x128xf32, #tpu.memory_space<hbm>>) dst(%dma_wait3A_59 : memref<128x128xf32, #tpu.memory_space<vmem>>)
    %dma_wait3A_65 = arith.constant 256 : i32
    %dma_wait3A_66 = arith.constant 0 : i32
    %dma_wait3A_67 = tpu.memref_slice %arg6[%dma_wait3A_65, %dma_wait3A_66] : memref<768x128xf32, #tpu.memory_space<vmem>> -> memref<128x128xf32, #tpu.memory_space<vmem>>
    %dma_wait3A_68 = arith.constant 256 : i32
    %dma_wait3A_69 = tpu.memref_slice %arg5[%dma_wait3A_68] : memref<768xi32, #tpu.memory_space<vmem>> -> memref<128xi32, #tpu.memory_space<vmem>>
    %dma_wait3A_70 = arith.constant 0 : i32
    %dma_wait3A_71 = arith.constant 0 : i32
    %dma_wait3A_72 = tpu.memref_slice %arg2[%dma_wait3A_70, %dma_wait3A_71] : memref<1000x128xf32, #tpu.memory_space<hbm>> -> memref<1000x128xf32, #tpu.memory_space<hbm>>
    tpu.wait_indirect_dma semaphore(%arg7 : memref<!tpu.dma_semaphore, #tpu.memory_space<semaphore_mem>>) src(%dma_wait3A_72 : memref<1000x128xf32, #tpu.memory_space<hbm>>) dst(%dma_wait3A_67 : memref<128x128xf32, #tpu.memory_space<vmem>>)
    %dma_wait3A_73 = arith.constant 384 : i32
    %dma_wait3A_74 = arith.constant 0 : i32
    %dma_wait3A_75 = tpu.memref_slice %arg6[%dma_wait3A_73, %dma_wait3A_74] : memref<768x128xf32, #tpu.memory_space<vmem>> -> memref<128x128xf32, #tpu.memory_space<vmem>>
    %dma_wait3A_76 = arith.constant 384 : i32
    %dma_wait3A_77 = tpu.memref_slice %arg5[%dma_wait3A_76] : memref<768xi32, #tpu.memory_space<vmem>> -> memref<128xi32, #tpu.memory_space<vmem>>
    %dma_wait3A_78 = arith.constant 0 : i32
    %dma_wait3A_79 = arith.constant 0 : i32
    %dma_wait3A_80 = tpu.memref_slice %arg2[%dma_wait3A_78, %dma_wait3A_79] : memref<1000x128xf32, #tpu.memory_space<hbm>> -> memref<1000x128xf32, #tpu.memory_space<hbm>>
    tpu.wait_indirect_dma semaphore(%arg7 : memref<!tpu.dma_semaphore, #tpu.memory_space<semaphore_mem>>) src(%dma_wait3A_80 : memref<1000x128xf32, #tpu.memory_space<hbm>>) dst(%dma_wait3A_75 : memref<128x128xf32, #tpu.memory_space<vmem>>)
    %dma_wait3A_81 = arith.constant 512 : i32
    %dma_wait3A_82 = arith.constant 0 : i32
    %dma_wait3A_83 = tpu.memref_slice %arg6[%dma_wait3A_81, %dma_wait3A_82] : memref<768x128xf32, #tpu.memory_space<vmem>> -> memref<128x128xf32, #tpu.memory_space<vmem>>
    %dma_wait3A_84 = arith.constant 512 : i32
    %dma_wait3A_85 = tpu.memref_slice %arg5[%dma_wait3A_84] : memref<768xi32, #tpu.memory_space<vmem>> -> memref<128xi32, #tpu.memory_space<vmem>>
    %dma_wait3A_86 = arith.constant 0 : i32
    %dma_wait3A_87 = arith.constant 0 : i32
    %dma_wait3A_88 = tpu.memref_slice %arg2[%dma_wait3A_86, %dma_wait3A_87] : memref<1000x128xf32, #tpu.memory_space<hbm>> -> memref<1000x128xf32, #tpu.memory_space<hbm>>
    tpu.wait_indirect_dma semaphore(%arg7 : memref<!tpu.dma_semaphore, #tpu.memory_space<semaphore_mem>>) src(%dma_wait3A_88 : memref<1000x128xf32, #tpu.memory_space<hbm>>) dst(%dma_wait3A_83 : memref<128x128xf32, #tpu.memory_space<vmem>>)
    %dma_wait3A_89 = arith.constant 640 : i32
    %dma_wait3A_90 = arith.constant 0 : i32
    %dma_wait3A_91 = tpu.memref_slice %arg6[%dma_wait3A_89, %dma_wait3A_90] : memref<768x128xf32, #tpu.memory_space<vmem>> -> memref<128x128xf32, #tpu.memory_space<vmem>>
    %dma_wait3A_92 = arith.constant 640 : i32
    %dma_wait3A_93 = tpu.memref_slice %arg5[%dma_wait3A_92] : memref<768xi32, #tpu.memory_space<vmem>> -> memref<128xi32, #tpu.memory_space<vmem>>
    %dma_wait3A_94 = arith.constant 0 : i32
    %dma_wait3A_95 = arith.constant 0 : i32
    %dma_wait3A_96 = tpu.memref_slice %arg2[%dma_wait3A_94, %dma_wait3A_95] : memref<1000x128xf32, #tpu.memory_space<hbm>> -> memref<1000x128xf32, #tpu.memory_space<hbm>>
    tpu.wait_indirect_dma semaphore(%arg7 : memref<!tpu.dma_semaphore, #tpu.memory_space<semaphore_mem>>) src(%dma_wait3A_96 : memref<1000x128xf32, #tpu.memory_space<hbm>>) dst(%dma_wait3A_91 : memref<128x128xf32, #tpu.memory_space<vmem>>)
    "tpu.region"() ({
      %run_scoped3A = tpu.sem_alloc : memref<!tpu.dma_semaphore, #tpu.memory_space<semaphore_mem>>
      %dma_start3A_97 = arith.constant 0 : i32
      %dma_start3A_98 = tpu.memref_slice %arg4[%mul3A_2, %dma_start3A_97] : memref<24576x128xf32, #tpu.memory_space<hbm>> -> memref<768x128xf32, #tpu.memory_space<hbm>>
      %dma_start3A_99 = arith.constant 0 : i32
      %dma_start3A_100 = tpu.memref_slice %arg4[%mul3A_2, %dma_start3A_99] : memref<24576x128xf32, #tpu.memory_space<hbm>> -> memref<768x128xf32, #tpu.memory_space<hbm>>
      tpu.enqueue_dma source(%arg6 : memref<768x128xf32, #tpu.memory_space<vmem>>) target(%dma_start3A_100 : memref<768x128xf32, #tpu.memory_space<hbm>>) target_semaphore(%run_scoped3A : memref<!tpu.dma_semaphore, #tpu.memory_space<semaphore_mem>>)
      %dma_wait3A_101 = arith.constant 0 : i32
      %dma_wait3A_102 = tpu.memref_slice %arg4[%mul3A_2, %dma_wait3A_101] : memref<24576x128xf32, #tpu.memory_space<hbm>> -> memref<768x128xf32, #tpu.memory_space<hbm>>
      %dma_wait3A_103 = arith.constant 0 : i32
      %dma_wait3A_104 = tpu.memref_slice %arg4[%mul3A_2, %dma_wait3A_103] : memref<24576x128xf32, #tpu.memory_space<hbm>> -> memref<768x128xf32, #tpu.memory_space<hbm>>
      tpu.wait_dma2 semaphore(%run_scoped3A : memref<!tpu.dma_semaphore, #tpu.memory_space<semaphore_mem>>) src(%arg6 : memref<768x128xf32, #tpu.memory_space<vmem>>) dst(%dma_wait3A_104 : memref<768x128xf32, #tpu.memory_space<hbm>>)
      tpu.yield
    }) : () -> ()
    return
  }
}

module attributes {stable_mosaic.version = 14 : i64} {
  func.func @_proj_body(%arg0: i32, %arg1: memref<3072x128xf32, #tpu.memory_space<vmem>>, %arg2: memref<128x1000xf32, #tpu.memory_space<vmem>>, %arg3: memref<1x1000xf32, #tpu.memory_space<vmem>>, %arg4: memref<128x20x1000xf32, #tpu.memory_space<vmem>>) attributes {dimension_semantics = [#tpu.dimension_semantics<arbitrary>], iteration_bounds = array<i64: 8>, scalar_prefetch = 0 : i64, scratch_operands = 0 : i64, tpu.core_type = #tpu.core_type<tc>, window_params = [{transform_indices = @transform_0, window_bounds = array<i64: 3072, 128>}, {pipeline_mode = #tpu.pipeline_mode<synchronous>, transform_indices = @transform_1, window_bounds = array<i64: 128, 1000>}, {pipeline_mode = #tpu.pipeline_mode<synchronous>, transform_indices = @transform_2, window_bounds = array<i64: 1, 1000>}, {transform_indices = @transform_3, window_bounds = array<i64: 128, 20, 1000>}]} {
    %get3A = arith.constant 0 : index
    %get3A_0 = arith.constant 0 : index
    %get3A_1 = vector.load %arg1[%get3A, %get3A_0] : memref<3072x128xf32, #tpu.memory_space<vmem>>, vector<3072x128xf32>
    %convert_element_type3A = arith.truncf %get3A_1 : vector<3072x128xf32> to vector<3072x128xbf16>
    %get3A_2 = arith.constant 0 : index
    %get3A_3 = arith.constant 0 : index
    %get3A_4 = vector.load %arg2[%get3A_2, %get3A_3] : memref<128x1000xf32, #tpu.memory_space<vmem>>, vector<128x1000xf32>
    %convert_element_type3A_5 = arith.truncf %get3A_4 : vector<128x1000xf32> to vector<128x1000xbf16>
    %dot_general3A = arith.constant dense<0.000000e+00> : vector<3072x1000xf32>
    %dot_general3A_6 = tpu.matmul %convert_element_type3A, %convert_element_type3A_5, %dot_general3A {dimension_numbers = #tpu.dot_dimension_numbers<[1], [0], [0], [1], [0, 0, 1, 1], [], []>, transpose_lhs_hint = false} : vector<3072x128xbf16>, vector<128x1000xbf16>, vector<3072x1000xf32> -> vector<3072x1000xf32>
    %get3A_7 = arith.constant 0 : index
    %get3A_8 = arith.constant 0 : index
    %get3A_9 = vector.load %arg3[%get3A_7, %get3A_8] : memref<1x1000xf32, #tpu.memory_space<vmem>>, vector<1x1000xf32>
    %add3A = vector.broadcast %get3A_9 : vector<1x1000xf32> to vector<3072x1000xf32>
    %add3A_10 = arith.addf %dot_general3A_6, %add3A : vector<3072x1000xf32>
    %reshape3A = vector.shape_cast %add3A_10 : vector<3072x1000xf32> to vector<128x24x1000xf32>
    %slice3A = vector.extract_strided_slice %reshape3A {offsets = [0, 0, 0], sizes = [128, 20, 1000], strides = [1, 1, 1]} : vector<128x24x1000xf32> to vector<128x20x1000xf32>
    %swap3A = arith.constant 0 : index
    %swap3A_11 = arith.constant 0 : index
    %swap3A_12 = arith.constant 0 : index
    %swap3A_13 = vector.load %arg4[%swap3A, %swap3A_11, %swap3A_12] : memref<128x20x1000xf32, #tpu.memory_space<vmem>>, vector<128x20x1000xf32>
    tpu.vector_store %arg4[%swap3A, %swap3A_11, %swap3A_12], %slice3A {strides = array<i32>} : memref<128x20x1000xf32, #tpu.memory_space<vmem>>, vector<128x20x1000xf32>,
    return
  }
  func.func @transform_0(%arg0: i32) -> (i32, i32) {
    %c0_i32 = arith.constant 0 : i32
    %c0_i32_0 = arith.constant 0 : i32
    return %arg0, %c0_i32 : i32, i32
  }
  func.func @transform_1(%arg0: i32) -> (i32, i32) {
    %c0_i32 = arith.constant 0 : i32
    %c0_i32_0 = arith.constant 0 : i32
    %c0_i32_1 = arith.constant 0 : i32
    return %c0_i32, %c0_i32_0 : i32, i32
  }
  func.func @transform_2(%arg0: i32) -> (i32, i32) {
    %c0_i32 = arith.constant 0 : i32
    %c0_i32_0 = arith.constant 0 : i32
    %c0_i32_1 = arith.constant 0 : i32
    return %c0_i32, %c0_i32_0 : i32, i32
  }
  func.func @transform_3(%arg0: i32) -> (i32, i32, i32) {
    %c0_i32 = arith.constant 0 : i32
    %c0_i32_0 = arith.constant 0 : i32
    %c0_i32_1 = arith.constant 0 : i32
    return %arg0, %c0_i32, %c0_i32_0 : i32, i32, i32
  }
}

</mosaic_0001>

<sc_bundles>
// kernel: kernel.4.cloned.1.call-start
scs
__scs_entry_jumppad:
0x0: {  	(pc) =	sbr.rel $0x88, $3  }
0x1: {  	(tag) =	ssettag $0x0;
	lr =	simm.s32 $0x1  }
0x2: {  	[smem:$0x3F9D] =	sst lr;
	_ =	strace $0xD0000000  }
0x3: {  	_ = 	snop  }
0x4: {  	_ = 	snop  }
0x5: {  	_ = 	snop  }
0x6: {  	_ = 	snop  }
0x7: {  	_ = 	snop  }
__scs_overlays_trampoline_lowered:
0x8: {  	[smem:$0x3FAC] =	sst s0  }
0x9: {  	[smem:$0x3FAD] =	sst s1  }
0xa: {  	[smem:$0x3FAE] =	sst s2  }
0xb: {  	[smem:$0x3FAF] =	sst s3  }
0xc: {  	[smem:$0x3FB0] =	sst s4  }
0xd: {  	[smem:$0x3FB1] =	sst s5  }
0xe: {  	[smem:$0x3FB2] =	sst s6  }
0xf: {  	[smem:$0x3FB3] =	sst s7  }
0x10: {  	[smem:$0x3FB4] =	sst s8  }
0x11: {  	[smem:$0x3FB5] =	sst s9;
	s0 =	simm.s32 @!p0 $0x0  }
0x12: {  	s1 =	sld [smem:$0x3F9B];
	s0 =	simm.s32 @p0 $0x1  }
0x13: {  	[smem:$0x3FB6] =	sst s0;
	s0 =	simm.s32 @!p1 $0x0  }
0x14: {  	s2 =	sld [smem:$0x3F9A];
	s0 =	simm.s32 @p1 $0x1  }
0x15: {  	[smem:$0x3FB7] =	sst s0;
	s0 =	simm.s32 @!p2 $0x0  }
0x16: {  	s3 =	sld [smem:$0x3FDB];
	s0 =	simm.s32 @p2 $0x1  }
0x17: {  	s4 =	simm.s32 $0x1BF5;
	[smem:$0x3FB9] =	sst s0  }
0x18: {  	s0 =	sld [smem:$0x3F9C];
	_ =	swait.ge [sflag:s4], $0x0  }
0x19: {  	s7 =	sld [smem:$0x3F9D]  }
0x1a: {  	s8 =	sadd.s32 $0xFFFFE003, lr  }
0x1b: {  	s9 =	sadd.s32 $0xFFFFFEF7, lr;
	s5 =	simm.s32 $0xFFFFFFFF;
	p2 =	slt.u32 s8, $0xFFFFF086  }
0x1c: {  	p1 =	slt.u32 s9, $0xF7A;
	s5 =	simm.s32 @!p2 $0x0  }
0x1d: {  	s5 =	simm.s32 @p1 $0x1;
	p0 =	seq.s32 s7, s2  }
0x1e: {  	s7 =	smul.u32 @!p0 $0xF7A, s2;
	p2 =	seq.s32 @!p0 s5, $0x0  }
0x1f: {  	s9 =	smul.u32 $0xF7A, s1;
	s8 =	simm.s32 @!p0 $0x1BF5;
	p2 =	por !p2, p0  }
0x20: {  	[sflag:s8] =	ssyncset.s32 @!p0 $0xFFFFF086;
	s6 =	sadd.s32 @!p0 s3, s7;
	s7 =	simm.s32 @!p0 $0x108  }
0x21: {  	s3 =	sadd.s32 s3, s9;
	s6 =	sadd.s32 @!p0 $0x88, s6;
	s7 =	simm.s32 @p2 $0x1082  }
0x22: {  	[simem:s7], [sflag:s8] =	dma.local @!p0 [hbm:s6], $0xF7A  }
0x23: {  	s9 =	sor.u32 $0xD0000000, s2;
	s6 =	simm.s32 $0x108;
	_ =	swait.ge @!p0 [sflag:s8], $0x0  }
0x24: {  	s3 =	sadd.s32 $0x88, s3;
	s6 =	simm.s32 @!p1 $0x1082;
	[sflag:s4] =	ssyncset.s32 $0xFFFFF086  }
0x25: {  	[simem:s6], [sflag:s4] =	dma.local [hbm:s3], $0xF7A  }
0x26: {  	[smem:$0x3F9D] =	sst s1;
	(tag) =	ssettag s2;
	_ =	strace s9  }
0x27: {  	s1 =	sld [smem:$0x3FAD]  }
0x28: {  	s2 =	sld [smem:$0x3FAE]  }
0x29: {  	s4 =	sld [smem:$0x3FB0]  }
0x2a: {  	p0 =	seq.s32 s5, $0x0;
	s5 =	sld [smem:$0x3FB1]  }
0x2b: {  	s6 =	sld [smem:$0x3FB2]  }
0x2c: {  	s7 =	sld [smem:$0x3FB3]  }
0x2d: {  	s3 =	simm.s32 $0x108;
	s8 =	sld [smem:$0x3FB4]  }
0x2e: {  	s3 =	simm.s32 @!p0 $0x1082;
	s9 =	sld [smem:$0x3FB5]  }
0x2f: {  	lr =	sadd.s32 s0, s3;
	s0 =	sld [smem:$0x3FAC]  }
0x30: {  	s3 =	sld [smem:$0x3FAF]  }
0x31: {  	[smem:$0x3FB8] =	sst s10  }
0x32: {  	s10 =	sld [smem:$0x3FB6];
	_ =	sdelay $0x3  }
0x33: {  	p0 =	seq.s32 s10, $0x1;
	s10 =	sld [smem:$0x3FB8];
	_ =	sdelay $0x3  }
0x34: {  	[smem:$0x3FB8] =	sst s10  }
0x35: {  	s10 =	sld [smem:$0x3FB7];
	_ =	sdelay $0x3  }
0x36: {  	p1 =	seq.s32 s10, $0x1;
	s10 =	sld [smem:$0x3FB8];
	_ =	sdelay $0x3  }
0x37: {  	[smem:$0x3FB8] =	sst s10  }
0x38: {  	s10 =	sld [smem:$0x3FB9]  }
0x39: {  	_ = 	snop;
	(pc) =	sbr.ind lr, $3  }
0x3a: {  	_ = 	snop  }
0x3b: {  	_ = 	snop  }
0x3c: {  	p2 =	seq.s32 s10, $0x1;
	s10 =	sld [smem:$0x3FB8]  }
0x3d: {  	_ =	shalt  }
0x3e: {  	_ =	shalt  }
0x3f: {  	_ =	shalt  }
0x40: {  	_ =	shalt  }
0x41: {  	_ =	shalt  }
0x42: {  	_ =	shalt  }
0x43: {  	_ =	shalt  }
0x44: {  	_ =	shalt  }
0x45: {  	_ =	shalt  }
0x46: {  	_ =	shalt  }
0x47: {  	_ =	shalt  }
0x48: {  	_ =	shalt  }
0x49: {  	_ =	shalt  }
0x4a: {  	_ =	shalt  }
0x4b: {  	_ =	shalt  }
0x4c: {  	_ =	shalt  }
0x4d: {  	_ =	shalt  }
0x4e: {  	_ =	shalt  }
0x4f: {  	_ =	shalt  }
0x50: {  	_ =	shalt  }
0x51: {  	_ =	shalt  }
0x52: {  	_ =	shalt  }
0x53: {  	_ =	shalt  }
0x54: {  	_ =	shalt  }
0x55: {  	_ =	shalt  }
0x56: {  	_ =	shalt  }
0x57: {  	_ =	shalt  }
0x58: {  	_ =	shalt  }
0x59: {  	_ =	shalt  }
0x5a: {  	_ =	shalt  }
0x5b: {  	_ =	shalt  }
0x5c: {  	_ =	shalt  }
0x5d: {  	_ =	shalt  }
0x5e: {  	_ =	shalt  }
0x5f: {  	_ =	shalt  }
0x60: {  	_ =	shalt  }
0x61: {  	_ =	shalt  }
0x62: {  	_ =	shalt  }
0x63: {  	_ =	shalt  }
0x64: {  	_ =	shalt  }
0x65: {  	_ =	shalt  }
0x66: {  	_ =	shalt  }
0x67: {  	_ =	shalt  }
0x68: {  	_ =	shalt  }
0x69: {  	_ =	shalt  }
0x6a: {  	_ =	shalt  }
0x6b: {  	_ =	shalt  }
0x6c: {  	_ =	shalt  }
0x6d: {  	_ =	shalt  }
0x6e: {  	_ =	shalt  }
0x6f: {  	_ =	shalt  }
0x70: {  	_ =	shalt  }
0x71: {  	_ =	shalt  }
0x72: {  	_ =	shalt  }
0x73: {  	_ =	shalt  }
0x74: {  	_ =	shalt  }
0x75: {  	_ =	shalt  }
0x76: {  	_ =	shalt  }
0x77: {  	_ =	shalt  }
0x78: {  	_ =	shalt  }
0x79: {  	_ =	shalt  }
0x7a: {  	_ =	shalt  }
0x7b: {  	_ =	shalt  }
0x7c: {  	_ =	shalt  }
0x7d: {  	_ =	shalt  }
0x7e: {  	_ =	shalt  }
0x7f: {  	_ =	shalt  }
0x80: {  	_ =	shalt  }
0x81: {  	_ =	shalt  }
0x82: {  	_ =	shalt  }
0x83: {  	_ =	shalt  }
0x84: {  	_ =	shalt  }
0x85: {  	_ =	shalt  }
0x86: {  	_ =	shalt  }
0x87: {  	_ =	shalt  }
.Lfunc_end0:
.L_simem_size_0:
called_computation_lowered:
.L_overlay_start_0:
0x88: {  	s2 =	sld [smem:$0x3FD9]  }
0x89: {  	s3 =	sld [smem:$0x3FFE];
	_ =	sdelay $0x1  }
0x8a: {  	s1 =	srdreg.scid  }
0x8b: {  	s0 =	sand.u32 $0x1, s1  }
0x8c: {  	s17 =	sshll.u32 s0, $0xA;
	s2 =	sadd.s32 s3, s2  }
0x8d: {  	s2 =	sadd.s32 s2, s17  }
0x8e: {  	[smem:$0x3FC4] =	sst s2  }
0x8f: {  	_ = 	snop  }
0x90: {  	s2 =	sld [smem:$0x3FC8]  }
0x91: {  	s18 =	sld [smem:$0x3FD0];
	(tm) =	ssettm $0x1  }
0x92: {  	s4 =	sld [smem:$0x3FFB];
	_ =	sdelay $0x3  }
0x93: {  	_ =	strace s4  }
0x94: {  	s4 =	sld [smem:$0x3FFC];
	_ =	sdelay $0x3  }
0x95: {  	_ =	strace s4  }
0x96: {  	s4 =	sld [smem:$0x3FFD];
	_ =	sdelay $0x3  }
0x97: {  	_ =	strace s4  }
0x98: {  	_ =	strace $0x8FFFFFFF  }
0x99: {  	s19 =	sld [smem:$0x3FDB];
	_ =	sdelay $0x1  }
0x9a: {  	s5 =	simm.s32 $_scs_section_size  }
0x9b: {  	s6 =	simm.s32 $_size__tile_overlayer_lowered;
	s7 =	simm.s32 $_tile_overlayer_lowered  }
0x9c: {  	s22 =	simm.s32 $0x1BFF;
	s21 =	sshll.u32 s7, $0x1;
	s4 =	sadd.s32 s5, s19  }
0x9d: {  	s8 =	simm.s32 $0x0;
	s20 =	sshll.u32 s6, $0x1;
	s6 =	sadd.s32 s21, s4  }
0x9e: {  	[timem:s8], [sflag:s22] =	dma.local [hbm:s6], s20  }
0x9f: {  	_ =	swait.ge [sflag:s22], s20  }
0xa0: {  	s5 =	ssub.s32 $0x0, s20;
	[sflag:s22] =	ssyncset.done $0x0  }
0xa1: {  	[sflag:s22] =	ssyncadd.s32 s5;
	_ =	sdelay $0x1  }
0xa2: {  	s23 =	simm.s32 $0x1B8B  }
0xa3: {  	_ =	swait.ge [sflag:s23], $0x1  }
0xa4: {  	[sflag:s23] =	ssyncset.done $0x0  }
0xa5: {  	s25 =	simm.s32 $0x1B8E;
	s24 =	sld [smem:$0x3FFE];
	[sflag:s23] =	ssyncadd.s32 $0xFFFFFFFF  }
0xa6: {  	s26 =	simm.s32 $execute0_lowered;
	[smem:$0x3FD2] =	sst s25  }
0xa7: {  	s6 =	sshll.u32 s26, $0x1;
	_ =	strace $0x80000046;
	[dreg:$0x1] =	wrdreg $0xFFFFFFFF  }
0xa8: {  	s28 =	simm.s32 $_size_execute0_lowered;
	s4 =	sadd.s32 s4, s6;
	[dreg:$0x0] =	wrdreg $0x0  }
0xa9: {  	s6 =	sshll.u32 s28, $0x1;
	[dreg:$0x2] =	wrdreg s4  }
0xaa: {  	[dreg:$0x3] =	wrdreg s6  }
0xab: {  	[dreg:$0x4] =	wrdreg $0xC0  }
0xac: {  	_ =	task [dreg:s8], $0x5FFFF  }
0xad: {  	[dreg:$0x1] =	wrdreg $0xFFFFFFFF  }
0xae: {  	[dreg:$0x0] =	wrdreg $0x60  }
0xaf: {  	[dreg:$0x2] =	wrdreg s2  }
0xb0: {  	[dreg:$0x3] =	wrdreg s24  }
0xb1: {  	[dreg:$0x4] =	wrdreg s18  }
0xb2: {  	[dreg:$0x5] =	wrdreg $0x9  }
0xb3: {  	_ =	task.clear_ibuf [dreg:s8], $0x6FFFF;
	_ =	strace $0x90000046  }
0xb4: {  	s29 =	simm.s32 $0x9;
	_ =	strace $0x80000048  }
0xb5: {  	_ =	swait.ge [sflag:s29], $0x1  }
0xb6: {  	[sflag:s29] =	ssyncadd.s32 $0xFFFFFFFF  }
0xb7: {  	_ =	strace $0x90000048  }
0xb8: {  	_ =	sfence  }
0xb9: {  	s30 =	sld [smem:$0x0];
	_ =	sdelay $0x2  }
0xba: {  	s31 =	sshll.u32 s1, $0xD;
	s1 =	sshrl.u32 s1, $0x2  }
0xbb: {  	s3 =	sand.u32 $0x4000, s31;
	s1 =	sadd.s32 s1, s30  }
0xbc: {  	s0 =	sor.u32 s3, s0;
	s1 =	sshll.u32 s1, $0x11  }
0xbd: {  	s0 =	sor.u32 s1, s0  }
0xbe: {  	s0 =	sadd.s32 $0x8F2B, s0  }
0xbf: {  	[sflag:s0] =	ssyncadd.remote.s32 $0x1  }
0xc0: {  	_ =	sfence.sel $0xFFFF  }
0xc1: {  	[dreg:$0x0] =	wrdreg $0xFFFFFFFF;
	(pc) =	sbr.abs _section_cstart, $3  }
0xc2: {  	[dreg:$0x1] =	wrdreg $0xFFFFFFFF  }
0xc3: {  	_ =	task.clear_ibuf [dreg:s8], $0x2FFFF;
	_ =	strace $0x9FFFFFFF  }
0xc4: {  	(tm) =	ssettm $0x7FFFFFFF  }
0xc5: {  	_ =	shalt  }
tec
execute0_lowered:
.L_overlay_start_1:
0x0: {  	(tag) =	ssettag $0x1  }
0x1: {  	s1 =	srdreg.scid;
	s0 =	stileid.u32  }
0x2: {  	s2 =	rddreg [dreg:$0x0];
	s18 =	sand.u32 $0x1, s1;
	s30 =	sshll.u32 s0, $0x1  }
0x3: {  	s4 =	rddreg [dreg:$0x1];
	s19 =	sor.u32 s18, s30  }
0x4: {  	s20 =	rddreg [dreg:$0x2];
	s5 =	smul.u32 $0x60, s19  }
0x5: {  	s3 =	simm.s32 $0x0;
	s1 =	rddreg [dreg:$0x3]  }
0x6: {  	[smem:$0x7FF] =	sst s3;
	s4 =	sadd.s32 s5, s4  }
0x7: {  	_ =	strace $0x80000047;
	s5 =	sadd.s32 $0x800, s4;
	s4 =	simm.s32 $0x2  }
0x8: {  	[tilespmem:s3], [sflag:$0x2] =	stream.linear.gather [hbm4b:s5+s3], $0x300, $0x38;
	[tilespmem:$0x18300] =	vst v63  }
0x9: {  	_ =	swait.ge [sflag:s4], $0x300  }
0xa: {  	[sflag:s4] =	ssyncset.done $0x0  }
0xb: {  	s6 =	simm.s32 $0x80;
	s7 =	simm.s32 $0x300;
	[sflag:s4] =	ssyncadd.s32 $0xFFFFFD00  }
0xc: {  	[tilespmem:s7], [sflag:$0x1] =	stream.indirect.gather [hbm4b:s2+s6], $0x80, s3, s6, $0xb8;
	[tilespmem:$0x18300] =	vst v63  }
0xd: {  	s8 =	simm.s32 $0x4300  }
0xe: {  	[tilespmem:s8], [sflag:$0x1] =	stream.indirect.gather [hbm4b:s2+s6], $0x80, s6, s6, $0xb8;
	[tilespmem:$0x18300] =	vst v63  }
0xf: {  	s9 =	simm.s32 $0x100;
	s10 =	simm.s32 $0x8300  }
0x10: {  	[tilespmem:s10], [sflag:$0x1] =	stream.indirect.gather [hbm4b:s2+s6], $0x80, s9, s6, $0xb8;
	[tilespmem:$0x18300] =	vst v63  }
0x11: {  	s11 =	simm.s32 $0x180;
	s12 =	simm.s32 $0xC300  }
0x12: {  	[tilespmem:s12], [sflag:$0x1] =	stream.indirect.gather [hbm4b:s2+s6], $0x80, s11, s6, $0xb8;
	[tilespmem:$0x18300] =	vst v63  }
0x13: {  	s13 =	simm.s32 $0x200;
	s14 =	simm.s32 $0x10300  }
0x14: {  	[tilespmem:s14], [sflag:$0x1] =	stream.indirect.gather [hbm4b:s2+s6], $0x80, s13, s6, $0xb8;
	[tilespmem:$0x18300] =	vst v63  }
0x15: {  	s15 =	simm.s32 $0x280;
	s16 =	simm.s32 $0x14300;
	s17 =	simm.s32 $0x1  }
0x16: {  	[tilespmem:s16], [sflag:$0x1] =	stream.indirect.gather [hbm4b:s2+s6], $0x80, s15, s6, $0xb8;
	[tilespmem:$0x18300] =	vst v63  }
0x17: {  	_ =	swait.ge [sflag:s17], $0x4000  }
0x18: {  	[sflag:s17] =	ssyncset.done $0x0  }
0x19: {  	[sflag:s17] =	ssyncadd.s32 $0xFFFFC000  }
0x1a: {  	_ =	swait.ge [sflag:s17], $0x4000  }
0x1b: {  	[sflag:s17] =	ssyncset.done $0x0  }
0x1c: {  	[sflag:s17] =	ssyncadd.s32 $0xFFFFC000  }
0x1d: {  	_ =	swait.ge [sflag:s17], $0x4000  }
0x1e: {  	[sflag:s17] =	ssyncset.done $0x0  }
0x1f: {  	[sflag:s17] =	ssyncadd.s32 $0xFFFFC000  }
0x20: {  	_ =	swait.ge [sflag:s17], $0x4000  }
0x21: {  	[sflag:s17] =	ssyncset.done $0x0  }
0x22: {  	s18 =	ssub.s32 $0x2, s18;
	[sflag:s17] =	ssyncadd.s32 $0xFFFFC000  }
0x23: {  	s21 =	sshrl.u32 s18, $0x1;
	_ =	swait.ge [sflag:s17], $0x4000  }
0x24: {  	s21 =	ssub.s32 s18, s21;
	[sflag:s17] =	ssyncset.done $0x0  }
0x25: {  	s31 =	smax.u32 s21, $0x1;
	[sflag:s17] =	ssyncadd.s32 $0xFFFFC000  }
0x26: {  	s19 =	smul.u32 $0x3000, s19;
	p0 =	sne.s32 s31, $0x1;
	_ =	swait.ge [sflag:s17], $0x4000  }
.Ltmp0:
0x27: {  	[sflag:s17] =	ssyncset.done $0x0;
	(pc) =	sbr.rel @!p0 .LBB2_2-.Ltmp0, $4  }
0x28: {  	s18 =	sadd.s32 s20, s19;
	[sflag:s17] =	ssyncadd.s32 $0xFFFFC000  }
0x29: {  	[hbm4b:s18+s3] =	stream.linear.scatter [tilespmem:s7], [sflag:$0x2], $0x18000, $0x38;
	[tilespmem:$0x18300] =	vst v63  }
0x2a: {  	_ =	swait.ge [sflag:s4], $0x18000  }
0x2b: {  	s19 =	sadd.s32 $0xFFFFFFFF, s31;
	[sflag:s4] =	ssyncset.done $0x0  }
.LBB2_1:
0x2c: {  	p0 =	sne.s32 s19, $0x1;
	s19 =	sadd.s32 $0xFFFFFFFF, s19;
	[sflag:s4] =	ssyncadd.s32 $0xFFFE8000  }
0x2d: {  	[tilespmem:s3], [sflag:$0x2] =	stream.linear.gather [hbm4b:s5+s3], $0x300, $0x38;
	[tilespmem:$0x18300] =	vst v63  }
0x2e: {  	_ =	swait.ge [sflag:s4], $0x300  }
0x2f: {  	[sflag:s4] =	ssyncset.done $0x0  }
0x30: {  	[sflag:s4] =	ssyncadd.s32 $0xFFFFFD00  }
0x31: {  	[tilespmem:s7], [sflag:$0x1] =	stream.indirect.gather [hbm4b:s2+s6], $0x80, s3, s6, $0xb8;
	[tilespmem:$0x18300] =	vst v63  }
0x32: {  	_ = 	snop  }
0x33: {  	[tilespmem:s8], [sflag:$0x1] =	stream.indirect.gather [hbm4b:s2+s6], $0x80, s6, s6, $0xb8;
	[tilespmem:$0x18300] =	vst v63  }
0x34: {  	_ = 	snop  }
0x35: {  	[tilespmem:s10], [sflag:$0x1] =	stream.indirect.gather [hbm4b:s2+s6], $0x80, s9, s6, $0xb8;
	[tilespmem:$0x18300] =	vst v63  }
0x36: {  	_ = 	snop  }
0x37: {  	[tilespmem:s12], [sflag:$0x1] =	stream.indirect.gather [hbm4b:s2+s6], $0x80, s11, s6, $0xb8;
	[tilespmem:$0x18300] =	vst v63  }
0x38: {  	_ = 	snop  }
0x39: {  	[tilespmem:s14], [sflag:$0x1] =	stream.indirect.gather [hbm4b:s2+s6], $0x80, s13, s6, $0xb8;
	[tilespmem:$0x18300] =	vst v63  }
0x3a: {  	_ = 	snop  }
0x3b: {  	[tilespmem:s16], [sflag:$0x1] =	stream.indirect.gather [hbm4b:s2+s6], $0x80, s15, s6, $0xb8;
	[tilespmem:$0x18300] =	vst v63  }
0x3c: {  	_ =	swait.ge [sflag:s17], $0x4000  }
0x3d: {  	[sflag:s17] =	ssyncset.done $0x0  }
0x3e: {  	[sflag:s17] =	ssyncadd.s32 $0xFFFFC000  }
0x3f: {  	_ =	swait.ge [sflag:s17], $0x4000  }
0x40: {  	[sflag:s17] =	ssyncset.done $0x0  }
0x41: {  	[sflag:s17] =	ssyncadd.s32 $0xFFFFC000  }
0x42: {  	_ =	swait.ge [sflag:s17], $0x4000  }
0x43: {  	[sflag:s17] =	ssyncset.done $0x0  }
0x44: {  	[sflag:s17] =	ssyncadd.s32 $0xFFFFC000  }
0x45: {  	_ =	swait.ge [sflag:s17], $0x4000  }
0x46: {  	[sflag:s17] =	ssyncset.done $0x0  }
0x47: {  	[sflag:s17] =	ssyncadd.s32 $0xFFFFC000  }
0x48: {  	_ =	swait.ge [sflag:s17], $0x4000  }
0x49: {  	[sflag:s17] =	ssyncset.done $0x0  }
0x4a: {  	[sflag:s17] =	ssyncadd.s32 $0xFFFFC000  }
0x4b: {  	_ =	swait.ge [sflag:s17], $0x4000  }
.Ltmp1:
0x4c: {  	[sflag:s17] =	ssyncset.done $0x0;
	(pc) =	sbr.rel @p0 .LBB2_1-.Ltmp1, $4  }
0x4d: {  	[sflag:s17] =	ssyncadd.s32 $0xFFFFC000  }
0x4e: {  	[hbm4b:s18+s3] =	stream.linear.scatter [tilespmem:s7], [sflag:$0x2], $0x18000, $0x38;
	[tilespmem:$0x18300] =	vst v63  }
0x4f: {  	_ =	swait.ge [sflag:s4], $0x18000  }
0x50: {  	[sflag:s4] =	ssyncset.done $0x0  }
.LBB2_2:
0x51: {  	[sflag:s4] =	ssyncadd.s32 $0xFFFE8000  }
0x52: {  	_ =	sfence.sel $0x180000  }
0x53: {  	[bflag:$0x0] =	sbarrier.arrive $0xFFFF  }
0x54: {  	p0 =	sne.s32 s0, $0x0;
	_ =	strace $0x90000047  }
0x55: {  	s0 =	sadd.s32 @!p0 $0x100000, s1;
	[bflag:$0x2] =	sbarrier.arrive $0xFFFF  }
0x56: {  	[sflag:s0] =	ssyncadd.tile.s32 @!p0 $0x1;
	_ =	shalt  }
.Lfunc_end2:
_tile_overlayer_lowered:
.L_overlay_start_2:
0x57: {  	(tag) =	ssettag $0x2  }
0x58: {  	s0 =	rddreg [dreg:$0x0];
	s2 =	stileid.u32  }
0x59: {  	s1 =	rddreg [dreg:$0x1];
	p0 =	sne.s32 s2, $0x0  }
0x5a: {  	s3 =	rddreg [dreg:$0x2];
	[bflag:$0x3] =	sbarrier.arrive $0xFFFF;
	s2 =	simm.s32 @!p0 $0x1C02  }
0x5b: {  	[timem:s3], [sflag:s2] =	dma.local @!p0 [hbm:s0], s1  }
0x5c: {  	s0 =	simm.s32 @!p0 $0x2  }
0x5d: {  	_ =	swait.ge @!p0 [sflag:s0], s1  }
0x5e: {  	s1 =	ssub.s32 @!p0 $0x0, s1;
	[sflag:s0] =	ssyncset.done @!p0 $0x0  }
0x5f: {  	[sflag:s0] =	ssyncadd.s32 @!p0 s1  }
0x60: {  	[bflag:$0x3] =	sbarrier.arrive $0xFFFF  }
0x61: {  	_ =	shalt  }

</sc_bundles>
